<compile_context>
chip_gen: v7x
topology: tpu7x:2x2x1
jax: 0.10.2.dev20260603
libtpu: 0.0.44.dev20260713+nightly
codegen_flags: <defaults>
</compile_context>

<pallas_src>
import jax
import jax.numpy as jnp
import numpy as np
from jax.experimental import pallas as pl
from jax.experimental.pallas import tpu as pltpu

D_MODEL = 512
PE_BANDS = 6
PE_MAX_FREQ = 10.0
K_TACTILE = 8
TAC_TEMP = 0.05
POINT_FEAT = 64
TAC_FEAT = 32
PLANE_CH = 32
PE_DIM = 3 * 2 * PE_BANDS

BN = 512
BM = 512


def _gelu(x):
    return x * (0.5 * (1.0 + jax.lax.erf(x * (1.0 / np.sqrt(2.0)))))


def _pe_from_rep(ang):
    return jnp.sin(ang)


def _tactile_kernel(feats_ref, xyzrep_ref, fvec_ref, ctx_ref,
                    w1_ref, b1_ref, w2_ref, b2_ref, w3_ref, b3_ref,
                    tokbf_ref, out_ref):
    pe = _pe_from_rep(xyzrep_ref[:] * fvec_ref[0:1, :] + fvec_ref[1:2, :])
    x = jnp.concatenate([feats_ref[:], pe], axis=1)
    h = _gelu(jnp.dot(x, w1_ref[:], preferred_element_type=jnp.float32) + b1_ref[:])
    h = _gelu(jnp.dot(h, w2_ref[:], preferred_element_type=jnp.float32) + b2_ref[:])
    tok = jnp.dot(h, w3_ref[:], preferred_element_type=jnp.float32) + b3_ref[:]
    tokbf_ref[:] = tok.astype(jnp.bfloat16)
    out_ref[:] = tok + ctx_ref[:]


def _point_kernel(pftri_ref, xyzrep_ref, xyz_ref, txyzT_ref, ttok_ref,
                  fvec_ref, ctx_ref,
                  w1_ref, b1_ref, w2_ref, b2_ref, w3_ref, b3_ref,
                  out_ref):
    pe = _pe_from_rep(xyzrep_ref[:] * fvec_ref[0:1, :] + fvec_ref[1:2, :])
    x = jnp.concatenate([pftri_ref[:], pe], axis=1)
    h = _gelu(jnp.dot(x, w1_ref[:], preferred_element_type=jnp.float32) + b1_ref[:])
    h = _gelu(jnp.dot(h, w2_ref[:], preferred_element_type=jnp.float32) + b2_ref[:])
    ptok = jnp.dot(h, w3_ref[:], preferred_element_type=jnp.float32) + b3_ref[:]

    xyz = xyz_ref[:]
    px, py, pz = xyz[:, 0:1], xyz[:, 1:2], xyz[:, 2:3]
    t = txyzT_ref[:]
    tx, ty, tz = t[0:1, :], t[1:2, :], t[2:3, :]
    p2 = px * px + py * py + pz * pz
    t2 = tx * tx + ty * ty + tz * tz
    d2 = (p2 + t2) - 2.0 * (px * tx + py * ty + pz * tz)

    work = d2
    m = None
    d2min = None
    for i in range(K_TACTILE):
        m = jnp.min(work, axis=1, keepdims=True)
        if i == 0:
            d2min = m
        if i < K_TACTILE - 1:
            work = jnp.where(work <= m, jnp.inf, work)
    thr = m

    dist = jnp.sqrt(jnp.maximum(d2, 0.0))
    dmin = jnp.sqrt(jnp.maximum(d2min, 0.0))
    logits = (dmin - dist) * (1.0 / TAC_TEMP)
    wu = jnp.where(d2 <= thr, jnp.exp(logits), 0.0)
    wsum = jnp.sum(wu, axis=1, keepdims=True)
    treg = jnp.dot(wu.astype(jnp.bfloat16), ttok_ref[:],
                   preferred_element_type=jnp.float32)
    out_ref[:] = ptok + treg * (1.0 / wsum) + ctx_ref[:]


def kernel(point_xyz_norm, point_feats, tactile_xyz_norm, tactile_feats,
           triplane_feats_at_points, ctx_emb,
           pW1, pb1, pW2, pb2, pW3, pb3,
           tW1, tb1, tW2, tb2, tW3, tb3,
           global_token):
    B, N, _ = point_xyz_norm.shape
    M = tactile_xyz_norm.shape[1]
    f32 = jnp.float32

    freqs = np.linspace(1.0, PE_MAX_FREQ, PE_BANDS, dtype=np.float32)
    frow = np.tile(np.concatenate([freqs, freqs]), 3) * np.pi
    phase = np.tile(np.concatenate([np.zeros(PE_BANDS, np.float32),
                                    np.full(PE_BANDS, 0.5 * np.pi, np.float32)]), 3)
    fvec = jnp.asarray(np.stack([frow, phase]).astype(np.float32))

    p_xyzrep = jnp.repeat(point_xyz_norm, 2 * PE_BANDS, axis=-1)
    t_xyzrep = jnp.repeat(tactile_xyz_norm, 2 * PE_BANDS, axis=-1)
    pftri = jnp.concatenate([point_feats, triplane_feats_at_points], axis=-1)
    pW1r = jnp.concatenate([pW1[:POINT_FEAT], pW1[POINT_FEAT + PE_DIM:], pW1[POINT_FEAT:POINT_FEAT + PE_DIM]], axis=0)
    txyzT = jnp.transpose(tactile_xyz_norm, (0, 2, 1))
    ctx = ctx_emb[:, None, :]

    def cw(spec_shape):
        return pl.BlockSpec(spec_shape, lambda b, i: (0,) * len(spec_shape))

    in_tac = TAC_FEAT + PE_DIM
    tac_grid = (B, M // BM)
    ttok_bf, tac_out = pl.pallas_call(
        _tactile_kernel,
        grid=tac_grid,
        in_specs=[
            pl.BlockSpec((None, BM, TAC_FEAT), lambda b, i: (b, i, 0)),
            pl.BlockSpec((None, BM, PE_DIM), lambda b, i: (b, i, 0)),
            cw((2, PE_DIM)),
            pl.BlockSpec((None, 1, D_MODEL), lambda b, i: (b, 0, 0)),
            cw((in_tac, D_MODEL)), cw((1, D_MODEL)),
            cw((D_MODEL, D_MODEL)), cw((1, D_MODEL)),
            cw((D_MODEL, D_MODEL)), cw((1, D_MODEL)),
        ],
        out_specs=[
            pl.BlockSpec((None, BM, D_MODEL), lambda b, i: (b, i, 0)),
            pl.BlockSpec((None, BM, D_MODEL), lambda b, i: (b, i, 0)),
        ],
        out_shape=[
            jax.ShapeDtypeStruct((B, M, D_MODEL), jnp.bfloat16),
            jax.ShapeDtypeStruct((B, M, D_MODEL), f32),
        ],
    )(tactile_feats, t_xyzrep, fvec, ctx,
      tW1, tb1.reshape(1, -1), tW2, tb2.reshape(1, -1), tW3, tb3.reshape(1, -1))

    in_point = POINT_FEAT + 3 * PLANE_CH + PE_DIM
    pt_grid = (B, N // BN)
    point_out = pl.pallas_call(
        _point_kernel,
        grid=pt_grid,
        in_specs=[
            pl.BlockSpec((None, BN, POINT_FEAT + 3 * PLANE_CH), lambda b, i: (b, i, 0)),
            pl.BlockSpec((None, BN, PE_DIM), lambda b, i: (b, i, 0)),
            pl.BlockSpec((None, BN, 3), lambda b, i: (b, i, 0)),
            pl.BlockSpec((None, 3, M), lambda b, i: (b, 0, 0)),
            pl.BlockSpec((None, M, D_MODEL), lambda b, i: (b, 0, 0)),
            cw((2, PE_DIM)),
            pl.BlockSpec((None, 1, D_MODEL), lambda b, i: (b, 0, 0)),
            cw((in_point, D_MODEL)), cw((1, D_MODEL)),
            cw((D_MODEL, D_MODEL)), cw((1, D_MODEL)),
            cw((D_MODEL, D_MODEL)), cw((1, D_MODEL)),
        ],
        out_specs=pl.BlockSpec((None, BN, D_MODEL), lambda b, i: (b, i, 0)),
        out_shape=jax.ShapeDtypeStruct((B, N, D_MODEL), f32),
    )(pftri, p_xyzrep, point_xyz_norm, txyzT, ttok_bf, fvec, ctx,
      pW1r, pb1.reshape(1, -1), pW2, pb2.reshape(1, -1), pW3, pb3.reshape(1, -1))

    global_tok = jnp.broadcast_to(global_token, (B, 1, D_MODEL)) + ctx
    return jnp.concatenate([global_tok, point_out, tac_out], axis=1)

# --- scband reference (transcript-rebuilt; emitter-appended) ---
"""Pipeline reference for scband-point-tactile-tokenizer-59493886984773 (READ-ONLY COPY).

The authoritative reference and input builder live on the scoring server;
editing this copy changes nothing except your own understanding.
"""

import jax, jax.numpy as jnp
import numpy as np

D_MODEL = 512
PE_BANDS = 6
PE_MAX_FREQ = 10.0
K_TACTILE = 8
TAC_TEMP = 0.05
POINT_FEAT = 64
TAC_FEAT = 32
PLANE_CH = 32


def _mlp(x, W1, b1, W2, b2, W3, b3):
    h = jax.nn.gelu(x @ W1 + b1, approximate=False)
    h = jax.nn.gelu(h @ W2 + b2, approximate=False)
    return h @ W3 + b3


def _pe3(xyz, freqs):
    x = xyz[..., None] * freqs.reshape(1, 1, 1, -1) * jnp.pi  # [B,N,3,bands]
    pe = jnp.concatenate([jnp.sin(x), jnp.cos(x)], axis=-1)   # [B,N,3,2*bands]
    return pe.reshape(pe.shape[0], pe.shape[1], -1)


def setup_inputs(seed: int = 0) -> dict:
    key = jax.random.key(seed)
    ks = [jax.random.fold_in(key, i) for i in range(32)]
    B, N, M = 2, 8192, 2048
    in_point = POINT_FEAT + 3 * 2 * PE_BANDS + 3 * PLANE_CH  # 64+36+96=196
    in_tac = TAC_FEAT + 3 * 2 * PE_BANDS                     # 32+36=68
    inp = {}
    inp['point_xyz_norm'] = jax.random.uniform(ks[0], (B, N, 3), dtype=jnp.float32)
    inp['point_feats'] = jax.random.normal(ks[1], (B, N, POINT_FEAT), dtype=jnp.float32)
    inp['tactile_xyz_norm'] = jax.random.uniform(ks[2], (B, M, 3), dtype=jnp.float32)
    inp['tactile_feats'] = jax.random.normal(ks[3], (B, M, TAC_FEAT), dtype=jnp.float32)
    inp['triplane_feats_at_points'] = jax.random.normal(ks[4], (B, N, 3 * PLANE_CH), dtype=jnp.float32)
    inp['ctx_emb'] = jax.random.normal(ks[5], (B, D_MODEL), dtype=jnp.float32)
    # point MLP params
    inp['pW1'] = jax.random.normal(ks[6], (in_point, D_MODEL), dtype=jnp.float32) * 0.02
    inp['pb1'] = jnp.zeros((D_MODEL,), dtype=jnp.float32)
    inp['pW2'] = jax.random.normal(ks[7], (D_MODEL, D_MODEL), dtype=jnp.float32) * 0.02
    inp['pb2'] = jnp.zeros((D_MODEL,), dtype=jnp.float32)
    inp['pW3'] = jax.random.normal(ks[8], (D_MODEL, D_MODEL), dtype=jnp.float32) * 0.02
    inp['pb3'] = jnp.zeros((D_MODEL,), dtype=jnp.float32)
    # tactile MLP params
    inp['tW1'] = jax.random.normal(ks[9], (in_tac, D_MODEL), dtype=jnp.float32) * 0.02
    inp['tb1'] = jnp.zeros((D_MODEL,), dtype=jnp.float32)
    inp['tW2'] = jax.random.normal(ks[10], (D_MODEL, D_MODEL), dtype=jnp.float32) * 0.02
    inp['tb2'] = jnp.zeros((D_MODEL,), dtype=jnp.float32)
    inp['tW3'] = jax.random.normal(ks[11], (D_MODEL, D_MODEL), dtype=jnp.float32) * 0.02
    inp['tb3'] = jnp.zeros((D_MODEL,), dtype=jnp.float32)
    inp['global_token'] = jnp.zeros((1, 1, D_MODEL), dtype=jnp.float32)
    return inp


def reference(point_xyz_norm, point_feats, tactile_xyz_norm, tactile_feats,
              triplane_feats_at_points, ctx_emb,
              pW1, pb1, pW2, pb2, pW3, pb3,
              tW1, tb1, tW2, tb2, tW3, tb3,
              global_token):
    B, N, _ = point_xyz_norm.shape
    M = tactile_xyz_norm.shape[1]
    freqs = jnp.linspace(1.0, PE_MAX_FREQ, PE_BANDS)
    pe_p = _pe3(point_xyz_norm, freqs)
    point_in = jnp.concatenate([point_feats, pe_p, triplane_feats_at_points], axis=-1)
    point_tok = _mlp(point_in, pW1, pb1, pW2, pb2, pW3, pb3)

    pe_t = _pe3(tactile_xyz_norm, freqs)
    tactile_in = jnp.concatenate([tactile_feats, pe_t], axis=-1)
    tactile_tok = _mlp(tactile_in, tW1, tb1, tW2, tb2, tW3, tb3)

    k = min(K_TACTILE, M)
    # cdist via |p|^2 + |t|^2 - 2 p.t (memory-efficient)
    p2 = jnp.sum(point_xyz_norm ** 2, axis=-1, keepdims=True)          # [B,N,1]
    t2 = jnp.sum(tactile_xyz_norm ** 2, axis=-1)[:, None, :]           # [B,1,M]
    d2 = p2 + t2 - 2.0 * jnp.einsum('bnd,bmd->bnm', point_xyz_norm, tactile_xyz_norm)
    dist = jnp.sqrt(jnp.maximum(d2, 0.0))                              # [B,N,M]
    neg_vals, knn_idx = jax.lax.top_k(-dist, k)                        # smallest k
    knn_dist = jax.lax.stop_gradient(-neg_vals)                        # torch no_grad
    knn_idx = jax.lax.stop_gradient(knn_idx)
    knn_emb = jax.vmap(lambda tok, idx: jnp.take(tok, idx, axis=0))(tactile_tok, knn_idx)  # [B,N,k,D]
    w = jax.nn.softmax(-knn_dist / max(TAC_TEMP, 1e-06), axis=-1)[..., None]
    tactile_reg = jnp.sum(w * knn_emb, axis=2)

    point_tok = point_tok + tactile_reg + ctx_emb[:, None, :]
    global_tok = jnp.broadcast_to(global_token, (B, 1, D_MODEL)) + ctx_emb[:, None, :]
    tactile_tok = tactile_tok + ctx_emb[:, None, :]
    tokens = jnp.concatenate([global_tok, point_tok, tactile_tok], axis=1)
    return tokens

if __name__ == "__main__":
    import jax
    _d = setup_inputs()
    print(jax.jit(kernel)(*tuple(_d.values())))

</pallas_src>

<mosaic_0001>
module attributes {stable_mosaic.version = 14 : i64} {
  func.func @_tactile_kernel(%arg0: i32, %arg1: i32, %arg2: memref<1x512x32xf32, #tpu.memory_space<vmem>>, %arg3: memref<1x512x36xf32, #tpu.memory_space<vmem>>, %arg4: memref<2x36xf32, #tpu.memory_space<vmem>>, %arg5: memref<1x1x512xf32, #tpu.memory_space<vmem>>, %arg6: memref<68x512xf32, #tpu.memory_space<vmem>>, %arg7: memref<1x512xf32, #tpu.memory_space<vmem>>, %arg8: memref<512x512xf32, #tpu.memory_space<vmem>>, %arg9: memref<1x512xf32, #tpu.memory_space<vmem>>, %arg10: memref<512x512xf32, #tpu.memory_space<vmem>>, %arg11: memref<1x512xf32, #tpu.memory_space<vmem>>, %arg12: memref<1x512x512xbf16, #tpu.memory_space<vmem>>, %arg13: memref<1x512x512xf32, #tpu.memory_space<vmem>>) attributes {dimension_semantics = [#tpu.dimension_semantics<arbitrary>, #tpu.dimension_semantics<arbitrary>], iteration_bounds = array<i64: 2, 4>, scalar_prefetch = 0 : i64, scratch_operands = 0 : i64, tpu.core_type = #tpu.core_type<tc>, window_params = [{transform_indices = @transform_0, window_bounds = array<i64: 1, 512, 32>}, {transform_indices = @transform_1, window_bounds = array<i64: 1, 512, 36>}, {pipeline_mode = #tpu.pipeline_mode<synchronous>, transform_indices = @transform_2, window_bounds = array<i64: 2, 36>}, {transform_indices = @transform_3, window_bounds = array<i64: 1, 1, 512>}, {pipeline_mode = #tpu.pipeline_mode<synchronous>, transform_indices = @transform_4, window_bounds = array<i64: 68, 512>}, {pipeline_mode = #tpu.pipeline_mode<synchronous>, transform_indices = @transform_5, window_bounds = array<i64: 1, 512>}, {pipeline_mode = #tpu.pipeline_mode<synchronous>, transform_indices = @transform_6, window_bounds = array<i64: 512, 512>}, {pipeline_mode = #tpu.pipeline_mode<synchronous>, transform_indices = @transform_7, window_bounds = array<i64: 1, 512>}, {pipeline_mode = #tpu.pipeline_mode<synchronous>, transform_indices = @transform_8, window_bounds = array<i64: 512, 512>}, {pipeline_mode = #tpu.pipeline_mode<synchronous>, transform_indices = @transform_9, window_bounds = array<i64: 1, 512>}, {transform_indices = @transform_10, window_bounds = array<i64: 1, 512, 512>}, {transform_indices = @transform_11, window_bounds = array<i64: 1, 512, 512>}]} {
    %get3A = arith.constant 0 : index
    %get3A_0 = arith.constant 0 : index
    %get3A_1 = arith.constant 0 : index
    %get3A_2 = vector.load %arg3[%get3A, %get3A_0, %get3A_1] : memref<1x512x36xf32, #tpu.memory_space<vmem>>, vector<1x512x36xf32>
    %get3A_3 = vector.shape_cast %get3A_2 : vector<1x512x36xf32> to vector<512x36xf32>
    %get3A_4 = arith.constant 0 : index
    %get3A_5 = arith.constant 0 : index
    %get3A_6 = vector.load %arg4[%get3A_4, %get3A_5] : memref<2x36xf32, #tpu.memory_space<vmem>>, vector<1x36xf32>
    %mul3A = vector.broadcast %get3A_6 : vector<1x36xf32> to vector<512x36xf32>
    %mul3A_7 = arith.mulf %get3A_3, %mul3A : vector<512x36xf32>
    %get3A_8 = arith.constant 1 : index
    %get3A_9 = arith.constant 0 : index
    %get3A_10 = vector.load %arg4[%get3A_8, %get3A_9] : memref<2x36xf32, #tpu.memory_space<vmem>>, vector<1x36xf32>
    %add3A = vector.broadcast %get3A_10 : vector<1x36xf32> to vector<512x36xf32>
    %add3A_11 = arith.addf %mul3A_7, %add3A : vector<512x36xf32>
    %sin3A = math.sin %add3A_11 : vector<512x36xf32>
    %get3A_12 = arith.constant 0 : index
    %get3A_13 = arith.constant 0 : index
    %get3A_14 = arith.constant 0 : index
    %get3A_15 = vector.load %arg2[%get3A_12, %get3A_13, %get3A_14] : memref<1x512x32xf32, #tpu.memory_space<vmem>>, vector<1x512x32xf32>
    %get3A_16 = vector.shape_cast %get3A_15 : vector<1x512x32xf32> to vector<512x32xf32>
    %concatenate3A = tpu.concatenate %get3A_16, %sin3A in 1 : vector<512x32xf32>, vector<512x36xf32> -> vector<512x68xf32>
    %get3A_17 = arith.constant 0 : index
    %get3A_18 = arith.constant 0 : index
    %get3A_19 = vector.load %arg6[%get3A_17, %get3A_18] : memref<68x512xf32, #tpu.memory_space<vmem>>, vector<68x512xf32>
    %dot_general3A = arith.constant dense<0.000000e+00> : vector<512x512xf32>
    %dot_general3A_20 = tpu.matmul %concatenate3A, %get3A_19, %dot_general3A {dimension_numbers = #tpu.dot_dimension_numbers<[1], [0], [0], [1], [0, 0, 1, 1], [], []>, transpose_lhs_hint = false} : vector<512x68xf32>, vector<68x512xf32>, vector<512x512xf32> -> vector<512x512xf32>
    %get3A_21 = arith.constant 0 : index
    %get3A_22 = arith.constant 0 : index
    %get3A_23 = vector.load %arg7[%get3A_21, %get3A_22] : memref<1x512xf32, #tpu.memory_space<vmem>>, vector<1x512xf32>
    %add3A_24 = vector.broadcast %get3A_23 : vector<1x512xf32> to vector<512x512xf32>
    %add3A_25 = arith.addf %dot_general3A_20, %add3A_24 : vector<512x512xf32>
    %mul3A_26 = arith.constant 0.707106769 : f32
    %mul3A_27 = vector.broadcast %mul3A_26 : f32 to vector<512x512xf32>
    %mul3A_28 = arith.mulf %add3A_25, %mul3A_27 : vector<512x512xf32>
    %erf3A = math.erf %mul3A_28 : vector<512x512xf32>
    %add3A_29 = arith.constant 1.000000e+00 : f32
    %add3A_30 = vector.broadcast %add3A_29 : f32 to vector<512x512xf32>
    %add3A_31 = arith.addf %add3A_30, %erf3A : vector<512x512xf32>
    %mul3A_32 = arith.constant 5.000000e-01 : f32
    %mul3A_33 = vector.broadcast %mul3A_32 : f32 to vector<512x512xf32>
    %mul3A_34 = arith.mulf %mul3A_33, %add3A_31 : vector<512x512xf32>
    %mul3A_35 = arith.mulf %add3A_25, %mul3A_34 : vector<512x512xf32>
    %get3A_36 = arith.constant 0 : index
    %get3A_37 = arith.constant 0 : index
    %get3A_38 = vector.load %arg8[%get3A_36, %get3A_37] : memref<512x512xf32, #tpu.memory_space<vmem>>, vector<512x512xf32>
    %dot_general3A_39 = arith.constant dense<0.000000e+00> : vector<512x512xf32>
    %dot_general3A_40 = tpu.matmul %mul3A_35, %get3A_38, %dot_general3A_39 {dimension_numbers = #tpu.dot_dimension_numbers<[1], [0], [0], [1], [0, 0, 1, 1], [], []>, transpose_lhs_hint = false} : vector<512x512xf32>, vector<512x512xf32>, vector<512x512xf32> -> vector<512x512xf32>
    %get3A_41 = arith.constant 0 : index
    %get3A_42 = arith.constant 0 : index
    %get3A_43 = vector.load %arg9[%get3A_41, %get3A_42] : memref<1x512xf32, #tpu.memory_space<vmem>>, vector<1x512xf32>
    %add3A_44 = vector.broadcast %get3A_43 : vector<1x512xf32> to vector<512x512xf32>
    %add3A_45 = arith.addf %dot_general3A_40, %add3A_44 : vector<512x512xf32>
    %mul3A_46 = arith.constant 0.707106769 : f32
    %mul3A_47 = vector.broadcast %mul3A_46 : f32 to vector<512x512xf32>
    %mul3A_48 = arith.mulf %add3A_45, %mul3A_47 : vector<512x512xf32>
    %erf3A_49 = math.erf %mul3A_48 : vector<512x512xf32>
    %add3A_50 = arith.constant 1.000000e+00 : f32
    %add3A_51 = vector.broadcast %add3A_50 : f32 to vector<512x512xf32>
    %add3A_52 = arith.addf %add3A_51, %erf3A_49 : vector<512x512xf32>
    %mul3A_53 = arith.constant 5.000000e-01 : f32
    %mul3A_54 = vector.broadcast %mul3A_53 : f32 to vector<512x512xf32>
    %mul3A_55 = arith.mulf %mul3A_54, %add3A_52 : vector<512x512xf32>
    %mul3A_56 = arith.mulf %add3A_45, %mul3A_55 : vector<512x512xf32>
    %get3A_57 = arith.constant 0 : index
    %get3A_58 = arith.constant 0 : index
    %get3A_59 = vector.load %arg10[%get3A_57, %get3A_58] : memref<512x512xf32, #tpu.memory_space<vmem>>, vector<512x512xf32>
    %dot_general3A_60 = arith.constant dense<0.000000e+00> : vector<512x512xf32>
    %dot_general3A_61 = tpu.matmul %mul3A_56, %get3A_59, %dot_general3A_60 {dimension_numbers = #tpu.dot_dimension_numbers<[1], [0], [0], [1], [0, 0, 1, 1], [], []>, transpose_lhs_hint = false} : vector<512x512xf32>, vector<512x512xf32>, vector<512x512xf32> -> vector<512x512xf32>
    %get3A_62 = arith.constant 0 : index
    %get3A_63 = arith.constant 0 : index
    %get3A_64 = vector.load %arg11[%get3A_62, %get3A_63] : memref<1x512xf32, #tpu.memory_space<vmem>>, vector<1x512xf32>
    %add3A_65 = vector.broadcast %get3A_64 : vector<1x512xf32> to vector<512x512xf32>
    %add3A_66 = arith.addf %dot_general3A_61, %add3A_65 : vector<512x512xf32>
    %convert_element_type3A = arith.truncf %add3A_66 : vector<512x512xf32> to vector<512x512xbf16>
    %swap3A = arith.constant 0 : index
    %swap3A_67 = arith.constant 0 : index
    %swap3A_68 = arith.constant 0 : index
    %swap3A_69 = vector.load %arg12[%swap3A, %swap3A_67, %swap3A_68] : memref<1x512x512xbf16, #tpu.memory_space<vmem>>, vector<1x512x512xbf16>
    %swap3A_70 = vector.shape_cast %swap3A_69 : vector<1x512x512xbf16> to vector<512x512xbf16>
    %swap3A_71 = vector.shape_cast %convert_element_type3A : vector<512x512xbf16> to vector<1x512x512xbf16>
    tpu.vector_store %arg12[%swap3A, %swap3A_67, %swap3A_68], %swap3A_71 {strides = array<i32>} : memref<1x512x512xbf16, #tpu.memory_space<vmem>>, vector<1x512x512xbf16>,
    %get3A_72 = arith.constant 0 : index
    %get3A_73 = arith.constant 0 : index
    %get3A_74 = arith.constant 0 : index
    %get3A_75 = vector.load %arg5[%get3A_72, %get3A_73, %get3A_74] : memref<1x1x512xf32, #tpu.memory_space<vmem>>, vector<1x1x512xf32>
    %get3A_76 = vector.shape_cast %get3A_75 : vector<1x1x512xf32> to vector<1x512xf32>
    %add3A_77 = vector.broadcast %get3A_76 : vector<1x512xf32> to vector<512x512xf32>
    %add3A_78 = arith.addf %add3A_66, %add3A_77 : vector<512x512xf32>
    %swap3A_79 = arith.constant 0 : index
    %swap3A_80 = arith.constant 0 : index
    %swap3A_81 = arith.constant 0 : index
    %swap3A_82 = vector.load %arg13[%swap3A_79, %swap3A_80, %swap3A_81] : memref<1x512x512xf32, #tpu.memory_space<vmem>>, vector<1x512x512xf32>
    %swap3A_83 = vector.shape_cast %swap3A_82 : vector<1x512x512xf32> to vector<512x512xf32>
    %swap3A_84 = vector.shape_cast %add3A_78 : vector<512x512xf32> to vector<1x512x512xf32>
    tpu.vector_store %arg13[%swap3A_79, %swap3A_80, %swap3A_81], %swap3A_84 {strides = array<i32>} : memref<1x512x512xf32, #tpu.memory_space<vmem>>, vector<1x512x512xf32>,
    return
  }
  func.func @transform_0(%arg0: i32, %arg1: i32) -> (i32, i32, i32) {
    %c0_i32 = arith.constant 0 : i32
    %c0_i32_0 = arith.constant 0 : i32
    return %arg0, %arg1, %c0_i32 : i32, i32, i32
  }
  func.func @transform_1(%arg0: i32, %arg1: i32) -> (i32, i32, i32) {
    %c0_i32 = arith.constant 0 : i32
    %c0_i32_0 = arith.constant 0 : i32
    return %arg0, %arg1, %c0_i32 : i32, i32, i32
  }
  func.func @transform_2(%arg0: i32, %arg1: i32) -> (i32, i32) {
    %c0_i32 = arith.constant 0 : i32
    %c0_i32_0 = arith.constant 0 : i32
    %c0_i32_1 = arith.constant 0 : i32
    return %c0_i32, %c0_i32_0 : i32, i32
  }
  func.func @transform_3(%arg0: i32, %arg1: i32) -> (i32, i32, i32) {
    %c0_i32 = arith.constant 0 : i32
    %c0_i32_0 = arith.constant 0 : i32
    %c0_i32_1 = arith.constant 0 : i32
    return %arg0, %c0_i32, %c0_i32_0 : i32, i32, i32
  }
  func.func @transform_4(%arg0: i32, %arg1: i32) -> (i32, i32) {
    %c0_i32 = arith.constant 0 : i32
    %c0_i32_0 = arith.constant 0 : i32
    %c0_i32_1 = arith.constant 0 : i32
    return %c0_i32, %c0_i32_0 : i32, i32
  }
  func.func @transform_5(%arg0: i32, %arg1: i32) -> (i32, i32) {
    %c0_i32 = arith.constant 0 : i32
    %c0_i32_0 = arith.constant 0 : i32
    %c0_i32_1 = arith.constant 0 : i32
    return %c0_i32, %c0_i32_0 : i32, i32
  }
  func.func @transform_6(%arg0: i32, %arg1: i32) -> (i32, i32) {
    %c0_i32 = arith.constant 0 : i32
    %c0_i32_0 = arith.constant 0 : i32
    %c0_i32_1 = arith.constant 0 : i32
    return %c0_i32, %c0_i32_0 : i32, i32
  }
  func.func @transform_7(%arg0: i32, %arg1: i32) -> (i32, i32) {
    %c0_i32 = arith.constant 0 : i32
    %c0_i32_0 = arith.constant 0 : i32
    %c0_i32_1 = arith.constant 0 : i32
    return %c0_i32, %c0_i32_0 : i32, i32
  }
  func.func @transform_8(%arg0: i32, %arg1: i32) -> (i32, i32) {
    %c0_i32 = arith.constant 0 : i32
    %c0_i32_0 = arith.constant 0 : i32
    %c0_i32_1 = arith.constant 0 : i32
    return %c0_i32, %c0_i32_0 : i32, i32
  }
  func.func @transform_9(%arg0: i32, %arg1: i32) -> (i32, i32) {
    %c0_i32 = arith.constant 0 : i32
    %c0_i32_0 = arith.constant 0 : i32
    %c0_i32_1 = arith.constant 0 : i32
    return %c0_i32, %c0_i32_0 : i32, i32
  }
  func.func @transform_10(%arg0: i32, %arg1: i32) -> (i32, i32, i32) {
    %c0_i32 = arith.constant 0 : i32
    %c0_i32_0 = arith.constant 0 : i32
    return %arg0, %arg1, %c0_i32 : i32, i32, i32
  }
  func.func @transform_11(%arg0: i32, %arg1: i32) -> (i32, i32, i32) {
    %c0_i32 = arith.constant 0 : i32
    %c0_i32_0 = arith.constant 0 : i32
    return %arg0, %arg1, %c0_i32 : i32, i32, i32
  }
}

module attributes {stable_mosaic.version = 14 : i64} {
  func.func @_point_kernel(%arg0: i32, %arg1: i32, %arg2: memref<1x512x160xf32, #tpu.memory_space<vmem>>, %arg3: memref<1x512x36xf32, #tpu.memory_space<vmem>>, %arg4: memref<1x512x3xf32, #tpu.memory_space<vmem>>, %arg5: memref<1x3x2048xf32, #tpu.memory_space<vmem>>, %arg6: memref<1x2048x512xbf16, #tpu.memory_space<vmem>>, %arg7: memref<2x36xf32, #tpu.memory_space<vmem>>, %arg8: memref<1x1x512xf32, #tpu.memory_space<vmem>>, %arg9: memref<196x512xf32, #tpu.memory_space<vmem>>, %arg10: memref<1x512xf32, #tpu.memory_space<vmem>>, %arg11: memref<512x512xf32, #tpu.memory_space<vmem>>, %arg12: memref<1x512xf32, #tpu.memory_space<vmem>>, %arg13: memref<512x512xf32, #tpu.memory_space<vmem>>, %arg14: memref<1x512xf32, #tpu.memory_space<vmem>>, %arg15: memref<1x512x512xf32, #tpu.memory_space<vmem>>) attributes {dimension_semantics = [#tpu.dimension_semantics<arbitrary>, #tpu.dimension_semantics<arbitrary>], iteration_bounds = array<i64: 2, 16>, scalar_prefetch = 0 : i64, scratch_operands = 0 : i64, tpu.core_type = #tpu.core_type<tc>, window_params = [{transform_indices = @transform_0, window_bounds = array<i64: 1, 512, 160>}, {transform_indices = @transform_1, window_bounds = array<i64: 1, 512, 36>}, {transform_indices = @transform_2, window_bounds = array<i64: 1, 512, 3>}, {transform_indices = @transform_3, window_bounds = array<i64: 1, 3, 2048>}, {transform_indices = @transform_4, window_bounds = array<i64: 1, 2048, 512>}, {pipeline_mode = #tpu.pipeline_mode<synchronous>, transform_indices = @transform_5, window_bounds = array<i64: 2, 36>}, {transform_indices = @transform_6, window_bounds = array<i64: 1, 1, 512>}, {pipeline_mode = #tpu.pipeline_mode<synchronous>, transform_indices = @transform_7, window_bounds = array<i64: 196, 512>}, {pipeline_mode = #tpu.pipeline_mode<synchronous>, transform_indices = @transform_8, window_bounds = array<i64: 1, 512>}, {pipeline_mode = #tpu.pipeline_mode<synchronous>, transform_indices = @transform_9, window_bounds = array<i64: 512, 512>}, {pipeline_mode = #tpu.pipeline_mode<synchronous>, transform_indices = @transform_10, window_bounds = array<i64: 1, 512>}, {pipeline_mode = #tpu.pipeline_mode<synchronous>, transform_indices = @transform_11, window_bounds = array<i64: 512, 512>}, {pipeline_mode = #tpu.pipeline_mode<synchronous>, transform_indices = @transform_12, window_bounds = array<i64: 1, 512>}, {transform_indices = @transform_13, window_bounds = array<i64: 1, 512, 512>}]} {
    %get3A = arith.constant 0 : index
    %get3A_0 = arith.constant 0 : index
    %get3A_1 = arith.constant 0 : index
    %get3A_2 = vector.load %arg3[%get3A, %get3A_0, %get3A_1] : memref<1x512x36xf32, #tpu.memory_space<vmem>>, vector<1x512x36xf32>
    %get3A_3 = vector.shape_cast %get3A_2 : vector<1x512x36xf32> to vector<512x36xf32>
    %get3A_4 = arith.constant 0 : index
    %get3A_5 = arith.constant 0 : index
    %get3A_6 = vector.load %arg7[%get3A_4, %get3A_5] : memref<2x36xf32, #tpu.memory_space<vmem>>, vector<1x36xf32>
    %mul3A = vector.broadcast %get3A_6 : vector<1x36xf32> to vector<512x36xf32>
    %mul3A_7 = arith.mulf %get3A_3, %mul3A : vector<512x36xf32>
    %get3A_8 = arith.constant 1 : index
    %get3A_9 = arith.constant 0 : index
    %get3A_10 = vector.load %arg7[%get3A_8, %get3A_9] : memref<2x36xf32, #tpu.memory_space<vmem>>, vector<1x36xf32>
    %add3A = vector.broadcast %get3A_10 : vector<1x36xf32> to vector<512x36xf32>
    %add3A_11 = arith.addf %mul3A_7, %add3A : vector<512x36xf32>
    %sin3A = math.sin %add3A_11 : vector<512x36xf32>
    %get3A_12 = arith.constant 0 : index
    %get3A_13 = arith.constant 0 : index
    %get3A_14 = arith.constant 0 : index
    %get3A_15 = vector.load %arg2[%get3A_12, %get3A_13, %get3A_14] : memref<1x512x160xf32, #tpu.memory_space<vmem>>, vector<1x512x160xf32>
    %get3A_16 = vector.shape_cast %get3A_15 : vector<1x512x160xf32> to vector<512x160xf32>
    %concatenate3A = tpu.concatenate %get3A_16, %sin3A in 1 : vector<512x160xf32>, vector<512x36xf32> -> vector<512x196xf32>
    %get3A_17 = arith.constant 0 : index
    %get3A_18 = arith.constant 0 : index
    %get3A_19 = vector.load %arg9[%get3A_17, %get3A_18] : memref<196x512xf32, #tpu.memory_space<vmem>>, vector<196x512xf32>
    %dot_general3A = arith.constant dense<0.000000e+00> : vector<512x512xf32>
    %dot_general3A_20 = tpu.matmul %concatenate3A, %get3A_19, %dot_general3A {dimension_numbers = #tpu.dot_dimension_numbers<[1], [0], [0], [1], [0, 0, 1, 1], [], []>, transpose_lhs_hint = false} : vector<512x196xf32>, vector<196x512xf32>, vector<512x512xf32> -> vector<512x512xf32>
    %get3A_21 = arith.constant 0 : index
    %get3A_22 = arith.constant 0 : index
    %get3A_23 = vector.load %arg10[%get3A_21, %get3A_22] : memref<1x512xf32, #tpu.memory_space<vmem>>, vector<1x512xf32>
    %add3A_24 = vector.broadcast %get3A_23 : vector<1x512xf32> to vector<512x512xf32>
    %add3A_25 = arith.addf %dot_general3A_20, %add3A_24 : vector<512x512xf32>
    %mul3A_26 = arith.constant 0.707106769 : f32
    %mul3A_27 = vector.broadcast %mul3A_26 : f32 to vector<512x512xf32>
    %mul3A_28 = arith.mulf %add3A_25, %mul3A_27 : vector<512x512xf32>
    %erf3A = math.erf %mul3A_28 : vector<512x512xf32>
    %add3A_29 = arith.constant 1.000000e+00 : f32
    %add3A_30 = vector.broadcast %add3A_29 : f32 to vector<512x512xf32>
    %add3A_31 = arith.addf %add3A_30, %erf3A : vector<512x512xf32>
    %mul3A_32 = arith.constant 5.000000e-01 : f32
    %mul3A_33 = vector.broadcast %mul3A_32 : f32 to vector<512x512xf32>
    %mul3A_34 = arith.mulf %mul3A_33, %add3A_31 : vector<512x512xf32>
    %mul3A_35 = arith.mulf %add3A_25, %mul3A_34 : vector<512x512xf32>
    %get3A_36 = arith.constant 0 : index
    %get3A_37 = arith.constant 0 : index
    %get3A_38 = vector.load %arg11[%get3A_36, %get3A_37] : memref<512x512xf32, #tpu.memory_space<vmem>>, vector<512x512xf32>
    %dot_general3A_39 = arith.constant dense<0.000000e+00> : vector<512x512xf32>
    %dot_general3A_40 = tpu.matmul %mul3A_35, %get3A_38, %dot_general3A_39 {dimension_numbers = #tpu.dot_dimension_numbers<[1], [0], [0], [1], [0, 0, 1, 1], [], []>, transpose_lhs_hint = false} : vector<512x512xf32>, vector<512x512xf32>, vector<512x512xf32> -> vector<512x512xf32>
    %get3A_41 = arith.constant 0 : index
    %get3A_42 = arith.constant 0 : index
    %get3A_43 = vector.load %arg12[%get3A_41, %get3A_42] : memref<1x512xf32, #tpu.memory_space<vmem>>, vector<1x512xf32>
    %add3A_44 = vector.broadcast %get3A_43 : vector<1x512xf32> to vector<512x512xf32>
    %add3A_45 = arith.addf %dot_general3A_40, %add3A_44 : vector<512x512xf32>
    %mul3A_46 = arith.constant 0.707106769 : f32
    %mul3A_47 = vector.broadcast %mul3A_46 : f32 to vector<512x512xf32>
    %mul3A_48 = arith.mulf %add3A_45, %mul3A_47 : vector<512x512xf32>
    %erf3A_49 = math.erf %mul3A_48 : vector<512x512xf32>
    %add3A_50 = arith.constant 1.000000e+00 : f32
    %add3A_51 = vector.broadcast %add3A_50 : f32 to vector<512x512xf32>
    %add3A_52 = arith.addf %add3A_51, %erf3A_49 : vector<512x512xf32>
    %mul3A_53 = arith.constant 5.000000e-01 : f32
    %mul3A_54 = vector.broadcast %mul3A_53 : f32 to vector<512x512xf32>
    %mul3A_55 = arith.mulf %mul3A_54, %add3A_52 : vector<512x512xf32>
    %mul3A_56 = arith.mulf %add3A_45, %mul3A_55 : vector<512x512xf32>
    %get3A_57 = arith.constant 0 : index
    %get3A_58 = arith.constant 0 : index
    %get3A_59 = vector.load %arg13[%get3A_57, %get3A_58] : memref<512x512xf32, #tpu.memory_space<vmem>>, vector<512x512xf32>
    %dot_general3A_60 = arith.constant dense<0.000000e+00> : vector<512x512xf32>
    %dot_general3A_61 = tpu.matmul %mul3A_56, %get3A_59, %dot_general3A_60 {dimension_numbers = #tpu.dot_dimension_numbers<[1], [0], [0], [1], [0, 0, 1, 1], [], []>, transpose_lhs_hint = false} : vector<512x512xf32>, vector<512x512xf32>, vector<512x512xf32> -> vector<512x512xf32>
    %get3A_62 = arith.constant 0 : index
    %get3A_63 = arith.constant 0 : index
    %get3A_64 = vector.load %arg14[%get3A_62, %get3A_63] : memref<1x512xf32, #tpu.memory_space<vmem>>, vector<1x512xf32>
    %add3A_65 = vector.broadcast %get3A_64 : vector<1x512xf32> to vector<512x512xf32>
    %add3A_66 = arith.addf %dot_general3A_61, %add3A_65 : vector<512x512xf32>
    %get3A_67 = arith.constant 0 : index
    %get3A_68 = arith.constant 0 : index
    %get3A_69 = arith.constant 0 : index
    %get3A_70 = vector.load %arg4[%get3A_67, %get3A_68, %get3A_69] : memref<1x512x3xf32, #tpu.memory_space<vmem>>, vector<1x512x3xf32>
    %get3A_71 = vector.shape_cast %get3A_70 : vector<1x512x3xf32> to vector<512x3xf32>
    %slice3A = vector.extract_strided_slice %get3A_71 {offsets = [0, 0], sizes = [512, 1], strides = [1, 1]} : vector<512x3xf32> to vector<512x1xf32>
    %slice3A_72 = vector.extract_strided_slice %get3A_71 {offsets = [0, 1], sizes = [512, 1], strides = [1, 1]} : vector<512x3xf32> to vector<512x1xf32>
    %slice3A_73 = vector.extract_strided_slice %get3A_71 {offsets = [0, 2], sizes = [512, 1], strides = [1, 1]} : vector<512x3xf32> to vector<512x1xf32>
    %get3A_74 = arith.constant 0 : index
    %get3A_75 = arith.constant 0 : index
    %get3A_76 = arith.constant 0 : index
    %get3A_77 = vector.load %arg5[%get3A_74, %get3A_75, %get3A_76] : memref<1x3x2048xf32, #tpu.memory_space<vmem>>, vector<1x3x2048xf32>
    %get3A_78 = vector.shape_cast %get3A_77 : vector<1x3x2048xf32> to vector<3x2048xf32>
    %slice3A_79 = vector.extract_strided_slice %get3A_78 {offsets = [0, 0], sizes = [1, 2048], strides = [1, 1]} : vector<3x2048xf32> to vector<1x2048xf32>
    %slice3A_80 = vector.extract_strided_slice %get3A_78 {offsets = [1, 0], sizes = [1, 2048], strides = [1, 1]} : vector<3x2048xf32> to vector<1x2048xf32>
    %slice3A_81 = vector.extract_strided_slice %get3A_78 {offsets = [2, 0], sizes = [1, 2048], strides = [1, 1]} : vector<3x2048xf32> to vector<1x2048xf32>
    %mul3A_82 = arith.mulf %slice3A, %slice3A : vector<512x1xf32>
    %mul3A_83 = arith.mulf %slice3A_72, %slice3A_72 : vector<512x1xf32>
    %add3A_84 = arith.addf %mul3A_82, %mul3A_83 : vector<512x1xf32>
    %mul3A_85 = arith.mulf %slice3A_73, %slice3A_73 : vector<512x1xf32>
    %add3A_86 = arith.addf %add3A_84, %mul3A_85 : vector<512x1xf32>
    %mul3A_87 = arith.mulf %slice3A_79, %slice3A_79 : vector<1x2048xf32>
    %mul3A_88 = arith.mulf %slice3A_80, %slice3A_80 : vector<1x2048xf32>
    %add3A_89 = arith.addf %mul3A_87, %mul3A_88 : vector<1x2048xf32>
    %mul3A_90 = arith.mulf %slice3A_81, %slice3A_81 : vector<1x2048xf32>
    %add3A_91 = arith.addf %add3A_89, %mul3A_90 : vector<1x2048xf32>
    %add3A_92 = vector.broadcast %add3A_86 : vector<512x1xf32> to vector<512x2048xf32>
    %add3A_93 = vector.broadcast %add3A_91 : vector<1x2048xf32> to vector<512x2048xf32>
    %add3A_94 = arith.addf %add3A_92, %add3A_93 : vector<512x2048xf32>
    %mul3A_95 = vector.broadcast %slice3A : vector<512x1xf32> to vector<512x2048xf32>
    %mul3A_96 = vector.broadcast %slice3A_79 : vector<1x2048xf32> to vector<512x2048xf32>
    %mul3A_97 = arith.mulf %mul3A_95, %mul3A_96 : vector<512x2048xf32>
    %mul3A_98 = vector.broadcast %slice3A_72 : vector<512x1xf32> to vector<512x2048xf32>
    %mul3A_99 = vector.broadcast %slice3A_80 : vector<1x2048xf32> to vector<512x2048xf32>
    %mul3A_100 = arith.mulf %mul3A_98, %mul3A_99 : vector<512x2048xf32>
    %add3A_101 = arith.addf %mul3A_97, %mul3A_100 : vector<512x2048xf32>
    %mul3A_102 = vector.broadcast %slice3A_73 : vector<512x1xf32> to vector<512x2048xf32>
    %mul3A_103 = vector.broadcast %slice3A_81 : vector<1x2048xf32> to vector<512x2048xf32>
    %mul3A_104 = arith.mulf %mul3A_102, %mul3A_103 : vector<512x2048xf32>
    %add3A_105 = arith.addf %add3A_101, %mul3A_104 : vector<512x2048xf32>
    %mul3A_106 = arith.constant 2.000000e+00 : f32
    %mul3A_107 = vector.broadcast %mul3A_106 : f32 to vector<512x2048xf32>
    %mul3A_108 = arith.mulf %mul3A_107, %add3A_105 : vector<512x2048xf32>
    %sub3A = arith.subf %add3A_94, %mul3A_108 : vector<512x2048xf32>
    %reduce_min3A = arith.constant dense<0x7F800000> : vector<512xf32>
    %reduce_min3A_109 = vector.multi_reduction <minimumf>, %sub3A, %reduce_min3A [1] : vector<512x2048xf32> to vector<512xf32>
    %broadcast_in_dim3A = vector.shape_cast %reduce_min3A_109 : vector<512xf32> to vector<512x1xf32>
    %le3A = vector.broadcast %broadcast_in_dim3A : vector<512x1xf32> to vector<512x2048xf32>
    %le3A_110 = arith.cmpf ole, %sub3A, %le3A : vector<512x2048xf32>
    %jit3A = arith.constant 0x7F800000 : f32
    %broadcast_in_dim3A_111 = vector.broadcast %jit3A : f32 to vector<512x2048xf32>
    %select_n3A = arith.select %le3A_110, %broadcast_in_dim3A_111, %sub3A : vector<512x2048xi1>, vector<512x2048xf32>
    %reduce_min3A_112 = arith.constant dense<0x7F800000> : vector<512xf32>
    %reduce_min3A_113 = vector.multi_reduction <minimumf>, %select_n3A, %reduce_min3A_112 [1] : vector<512x2048xf32> to vector<512xf32>
    %broadcast_in_dim3A_114 = vector.shape_cast %reduce_min3A_113 : vector<512xf32> to vector<512x1xf32>
    %le3A_115 = vector.broadcast %broadcast_in_dim3A_114 : vector<512x1xf32> to vector<512x2048xf32>
    %le3A_116 = arith.cmpf ole, %select_n3A, %le3A_115 : vector<512x2048xf32>
    %jit3A_117 = arith.constant 0x7F800000 : f32
    %broadcast_in_dim3A_118 = vector.broadcast %jit3A_117 : f32 to vector<512x2048xf32>
    %select_n3A_119 = arith.select %le3A_116, %broadcast_in_dim3A_118, %select_n3A : vector<512x2048xi1>, vector<512x2048xf32>
    %reduce_min3A_120 = arith.constant dense<0x7F800000> : vector<512xf32>
    %reduce_min3A_121 = vector.multi_reduction <minimumf>, %select_n3A_119, %reduce_min3A_120 [1] : vector<512x2048xf32> to vector<512xf32>
    %broadcast_in_dim3A_122 = vector.shape_cast %reduce_min3A_121 : vector<512xf32> to vector<512x1xf32>
    %le3A_123 = vector.broadcast %broadcast_in_dim3A_122 : vector<512x1xf32> to vector<512x2048xf32>
    %le3A_124 = arith.cmpf ole, %select_n3A_119, %le3A_123 : vector<512x2048xf32>
    %jit3A_125 = arith.constant 0x7F800000 : f32
    %broadcast_in_dim3A_126 = vector.broadcast %jit3A_125 : f32 to vector<512x2048xf32>
    %select_n3A_127 = arith.select %le3A_124, %broadcast_in_dim3A_126, %select_n3A_119 : vector<512x2048xi1>, vector<512x2048xf32>
    %reduce_min3A_128 = arith.constant dense<0x7F800000> : vector<512xf32>
    %reduce_min3A_129 = vector.multi_reduction <minimumf>, %select_n3A_127, %reduce_min3A_128 [1] : vector<512x2048xf32> to vector<512xf32>
    %broadcast_in_dim3A_130 = vector.shape_cast %reduce_min3A_129 : vector<512xf32> to vector<512x1xf32>
    %le3A_131 = vector.broadcast %broadcast_in_dim3A_130 : vector<512x1xf32> to vector<512x2048xf32>
    %le3A_132 = arith.cmpf ole, %select_n3A_127, %le3A_131 : vector<512x2048xf32>
    %jit3A_133 = arith.constant 0x7F800000 : f32
    %broadcast_in_dim3A_134 = vector.broadcast %jit3A_133 : f32 to vector<512x2048xf32>
    %select_n3A_135 = arith.select %le3A_132, %broadcast_in_dim3A_134, %select_n3A_127 : vector<512x2048xi1>, vector<512x2048xf32>
    %reduce_min3A_136 = arith.constant dense<0x7F800000> : vector<512xf32>
    %reduce_min3A_137 = vector.multi_reduction <minimumf>, %select_n3A_135, %reduce_min3A_136 [1] : vector<512x2048xf32> to vector<512xf32>
    %broadcast_in_dim3A_138 = vector.shape_cast %reduce_min3A_137 : vector<512xf32> to vector<512x1xf32>
    %le3A_139 = vector.broadcast %broadcast_in_dim3A_138 : vector<512x1xf32> to vector<512x2048xf32>
    %le3A_140 = arith.cmpf ole, %select_n3A_135, %le3A_139 : vector<512x2048xf32>
    %jit3A_141 = arith.constant 0x7F800000 : f32
    %broadcast_in_dim3A_142 = vector.broadcast %jit3A_141 : f32 to vector<512x2048xf32>
    %select_n3A_143 = arith.select %le3A_140, %broadcast_in_dim3A_142, %select_n3A_135 : vector<512x2048xi1>, vector<512x2048xf32>
    %reduce_min3A_144 = arith.constant dense<0x7F800000> : vector<512xf32>
    %reduce_min3A_145 = vector.multi_reduction <minimumf>, %select_n3A_143, %reduce_min3A_144 [1] : vector<512x2048xf32> to vector<512xf32>
    %broadcast_in_dim3A_146 = vector.shape_cast %reduce_min3A_145 : vector<512xf32> to vector<512x1xf32>
    %le3A_147 = vector.broadcast %broadcast_in_dim3A_146 : vector<512x1xf32> to vector<512x2048xf32>
    %le3A_148 = arith.cmpf ole, %select_n3A_143, %le3A_147 : vector<512x2048xf32>
    %jit3A_149 = arith.constant 0x7F800000 : f32
    %broadcast_in_dim3A_150 = vector.broadcast %jit3A_149 : f32 to vector<512x2048xf32>
    %select_n3A_151 = arith.select %le3A_148, %broadcast_in_dim3A_150, %select_n3A_143 : vector<512x2048xi1>, vector<512x2048xf32>
    %reduce_min3A_152 = arith.constant dense<0x7F800000> : vector<512xf32>
    %reduce_min3A_153 = vector.multi_reduction <minimumf>, %select_n3A_151, %reduce_min3A_152 [1] : vector<512x2048xf32> to vector<512xf32>
    %broadcast_in_dim3A_154 = vector.shape_cast %reduce_min3A_153 : vector<512xf32> to vector<512x1xf32>
    %le3A_155 = vector.broadcast %broadcast_in_dim3A_154 : vector<512x1xf32> to vector<512x2048xf32>
    %le3A_156 = arith.cmpf ole, %select_n3A_151, %le3A_155 : vector<512x2048xf32>
    %jit3A_157 = arith.constant 0x7F800000 : f32
    %broadcast_in_dim3A_158 = vector.broadcast %jit3A_157 : f32 to vector<512x2048xf32>
    %select_n3A_159 = arith.select %le3A_156, %broadcast_in_dim3A_158, %select_n3A_151 : vector<512x2048xi1>, vector<512x2048xf32>
    %reduce_min3A_160 = arith.constant dense<0x7F800000> : vector<512xf32>
    %reduce_min3A_161 = vector.multi_reduction <minimumf>, %select_n3A_159, %reduce_min3A_160 [1] : vector<512x2048xf32> to vector<512xf32>
    %broadcast_in_dim3A_162 = vector.shape_cast %reduce_min3A_161 : vector<512xf32> to vector<512x1xf32>
    %max3A = arith.constant 0.000000e+00 : f32
    %max3A_163 = vector.broadcast %max3A : f32 to vector<512x2048xf32>
    %max3A_164 = arith.maximumf %sub3A, %max3A_163 : vector<512x2048xf32>
    %sqrt3A = math.sqrt %max3A_164 : vector<512x2048xf32>
    %max3A_165 = arith.constant 0.000000e+00 : f32
    %max3A_166 = vector.broadcast %max3A_165 : f32 to vector<512x1xf32>
    %max3A_167 = arith.maximumf %broadcast_in_dim3A, %max3A_166 : vector<512x1xf32>
    %sqrt3A_168 = math.sqrt %max3A_167 : vector<512x1xf32>
    %sub3A_169 = vector.broadcast %sqrt3A_168 : vector<512x1xf32> to vector<512x2048xf32>
    %sub3A_170 = arith.subf %sub3A_169, %sqrt3A : vector<512x2048xf32>
    %mul3A_171 = arith.constant 2.000000e+01 : f32
    %mul3A_172 = vector.broadcast %mul3A_171 : f32 to vector<512x2048xf32>
    %mul3A_173 = arith.mulf %sub3A_170, %mul3A_172 : vector<512x2048xf32>
    %le3A_174 = vector.broadcast %broadcast_in_dim3A_162 : vector<512x1xf32> to vector<512x2048xf32>
    %le3A_175 = arith.cmpf ole, %sub3A, %le3A_174 : vector<512x2048xf32>
    %exp3A = math.exp %mul3A_173 : vector<512x2048xf32>
    %jit3A_176 = arith.constant 0.000000e+00 : f32
    %broadcast_in_dim3A_177 = vector.broadcast %jit3A_176 : f32 to vector<512x2048xf32>
    %select_n3A_178 = arith.select %le3A_175, %exp3A, %broadcast_in_dim3A_177 : vector<512x2048xi1>, vector<512x2048xf32>
    %reduce_sum3A = arith.constant dense<0.000000e+00> : vector<512xf32>
    %reduce_sum3A_179 = vector.multi_reduction <add>, %select_n3A_178, %reduce_sum3A [1] : vector<512x2048xf32> to vector<512xf32>
    %broadcast_in_dim3A_180 = vector.shape_cast %reduce_sum3A_179 : vector<512xf32> to vector<512x1xf32>
    %convert_element_type3A = arith.truncf %select_n3A_178 : vector<512x2048xf32> to vector<512x2048xbf16>
    %get3A_181 = arith.constant 0 : index
    %get3A_182 = arith.constant 0 : index
    %get3A_183 = arith.constant 0 : index
    %get3A_184 = vector.load %arg6[%get3A_181, %get3A_182, %get3A_183] : memref<1x2048x512xbf16, #tpu.memory_space<vmem>>, vector<1x2048x512xbf16>
    %get3A_185 = vector.shape_cast %get3A_184 : vector<1x2048x512xbf16> to vector<2048x512xbf16>
    %dot_general3A_186 = arith.constant dense<0.000000e+00> : vector<512x512xf32>
    %dot_general3A_187 = tpu.matmul %convert_element_type3A, %get3A_185, %dot_general3A_186 {dimension_numbers = #tpu.dot_dimension_numbers<[1], [0], [0], [1], [0, 0, 1, 1], [], []>, transpose_lhs_hint = false} : vector<512x2048xbf16>, vector<2048x512xbf16>, vector<512x512xf32> -> vector<512x512xf32>
    %div3A = arith.constant 1.000000e+00 : f32
    %div3A_188 = vector.broadcast %div3A : f32 to vector<512x1xf32>
    %div3A_189 = arith.divf %div3A_188, %broadcast_in_dim3A_180 : vector<512x1xf32>
    %mul3A_190 = vector.broadcast %div3A_189 : vector<512x1xf32> to vector<512x512xf32>
    %mul3A_191 = arith.mulf %dot_general3A_187, %mul3A_190 : vector<512x512xf32>
    %add3A_192 = arith.addf %add3A_66, %mul3A_191 : vector<512x512xf32>
    %get3A_193 = arith.constant 0 : index
    %get3A_194 = arith.constant 0 : index
    %get3A_195 = arith.constant 0 : index
    %get3A_196 = vector.load %arg8[%get3A_193, %get3A_194, %get3A_195] : memref<1x1x512xf32, #tpu.memory_space<vmem>>, vector<1x1x512xf32>
    %get3A_197 = vector.shape_cast %get3A_196 : vector<1x1x512xf32> to vector<1x512xf32>
    %add3A_198 = vector.broadcast %get3A_197 : vector<1x512xf32> to vector<512x512xf32>
    %add3A_199 = arith.addf %add3A_192, %add3A_198 : vector<512x512xf32>
    %swap3A = arith.constant 0 : index
    %swap3A_200 = arith.constant 0 : index
    %swap3A_201 = arith.constant 0 : index
    %swap3A_202 = vector.load %arg15[%swap3A, %swap3A_200, %swap3A_201] : memref<1x512x512xf32, #tpu.memory_space<vmem>>, vector<1x512x512xf32>
    %swap3A_203 = vector.shape_cast %swap3A_202 : vector<1x512x512xf32> to vector<512x512xf32>
    %swap3A_204 = vector.shape_cast %add3A_199 : vector<512x512xf32> to vector<1x512x512xf32>
    tpu.vector_store %arg15[%swap3A, %swap3A_200, %swap3A_201], %swap3A_204 {strides = array<i32>} : memref<1x512x512xf32, #tpu.memory_space<vmem>>, vector<1x512x512xf32>,
    return
  }
  func.func @transform_0(%arg0: i32, %arg1: i32) -> (i32, i32, i32) {
    %c0_i32 = arith.constant 0 : i32
    %c0_i32_0 = arith.constant 0 : i32
    return %arg0, %arg1, %c0_i32 : i32, i32, i32
  }
  func.func @transform_1(%arg0: i32, %arg1: i32) -> (i32, i32, i32) {
    %c0_i32 = arith.constant 0 : i32
    %c0_i32_0 = arith.constant 0 : i32
    return %arg0, %arg1, %c0_i32 : i32, i32, i32
  }
  func.func @transform_2(%arg0: i32, %arg1: i32) -> (i32, i32, i32) {
    %c0_i32 = arith.constant 0 : i32
    %c0_i32_0 = arith.constant 0 : i32
    return %arg0, %arg1, %c0_i32 : i32, i32, i32
  }
  func.func @transform_3(%arg0: i32, %arg1: i32) -> (i32, i32, i32) {
    %c0_i32 = arith.constant 0 : i32
    %c0_i32_0 = arith.constant 0 : i32
    %c0_i32_1 = arith.constant 0 : i32
    return %arg0, %c0_i32, %c0_i32_0 : i32, i32, i32
  }
  func.func @transform_4(%arg0: i32, %arg1: i32) -> (i32, i32, i32) {
    %c0_i32 = arith.constant 0 : i32
    %c0_i32_0 = arith.constant 0 : i32
    %c0_i32_1 = arith.constant 0 : i32
    return %arg0, %c0_i32, %c0_i32_0 : i32, i32, i32
  }
  func.func @transform_5(%arg0: i32, %arg1: i32) -> (i32, i32) {
    %c0_i32 = arith.constant 0 : i32
    %c0_i32_0 = arith.constant 0 : i32
    %c0_i32_1 = arith.constant 0 : i32
    return %c0_i32, %c0_i32_0 : i32, i32
  }
  func.func @transform_6(%arg0: i32, %arg1: i32) -> (i32, i32, i32) {
    %c0_i32 = arith.constant 0 : i32
    %c0_i32_0 = arith.constant 0 : i32
    %c0_i32_1 = arith.constant 0 : i32
    return %arg0, %c0_i32, %c0_i32_0 : i32, i32, i32
  }
  func.func @transform_7(%arg0: i32, %arg1: i32) -> (i32, i32) {
    %c0_i32 = arith.constant 0 : i32
    %c0_i32_0 = arith.constant 0 : i32
    %c0_i32_1 = arith.constant 0 : i32
    return %c0_i32, %c0_i32_0 : i32, i32
  }
  func.func @transform_8(%arg0: i32, %arg1: i32) -> (i32, i32) {
    %c0_i32 = arith.constant 0 : i32
    %c0_i32_0 = arith.constant 0 : i32
    %c0_i32_1 = arith.constant 0 : i32
    return %c0_i32, %c0_i32_0 : i32, i32
  }
  func.func @transform_9(%arg0: i32, %arg1: i32) -> (i32, i32) {
    %c0_i32 = arith.constant 0 : i32
    %c0_i32_0 = arith.constant 0 : i32
    %c0_i32_1 = arith.constant 0 : i32
    return %c0_i32, %c0_i32_0 : i32, i32
  }
  func.func @transform_10(%arg0: i32, %arg1: i32) -> (i32, i32) {
    %c0_i32 = arith.constant 0 : i32
    %c0_i32_0 = arith.constant 0 : i32
    %c0_i32_1 = arith.constant 0 : i32
    return %c0_i32, %c0_i32_0 : i32, i32
  }
  func.func @transform_11(%arg0: i32, %arg1: i32) -> (i32, i32) {
    %c0_i32 = arith.constant 0 : i32
    %c0_i32_0 = arith.constant 0 : i32
    %c0_i32_1 = arith.constant 0 : i32
    return %c0_i32, %c0_i32_0 : i32, i32
  }
  func.func @transform_12(%arg0: i32, %arg1: i32) -> (i32, i32) {
    %c0_i32 = arith.constant 0 : i32
    %c0_i32_0 = arith.constant 0 : i32
    %c0_i32_1 = arith.constant 0 : i32
    return %c0_i32, %c0_i32_0 : i32, i32
  }
  func.func @transform_13(%arg0: i32, %arg1: i32) -> (i32, i32, i32) {
    %c0_i32 = arith.constant 0 : i32
    %c0_i32_0 = arith.constant 0 : i32
    return %arg0, %arg1, %c0_i32 : i32, i32, i32
  }
}

</mosaic_0001>

<sc_bundles>
// kernel: sparse-core-data-format-call.cloned.1.call-start
scs
called_computation_lowered:
.L_overlay_start_0:
0x0: {  	s2 =	sld [smem:$0x3FD9]  }
0x1: {  	s3 =	sld [smem:$0x3FFE];
	_ =	sdelay $0x1  }
0x2: {  	s1 =	srdreg.scid  }
0x3: {  	s0 =	sand.u32 $0x1, s1  }
0x4: {  	s18 =	sshll.u32 s0, $0xA;
	s2 =	sadd.s32 s3, s2  }
0x5: {  	s2 =	sadd.s32 s2, s18  }
0x6: {  	[smem:$0x3FB5] =	sst s2  }
0x7: {  	_ = 	snop  }
0x8: {  	s2 =	sld [smem:$0x3FD0];
	(tm) =	ssettm $0x1  }
0x9: {  	s19 =	sld [smem:$0x3FFB];
	_ =	sdelay $0x3  }
0xa: {  	_ =	strace s19  }
0xb: {  	s3 =	sld [smem:$0x3FFC];
	_ =	sdelay $0x3  }
0xc: {  	_ =	strace s3  }
0xd: {  	s3 =	sld [smem:$0x3FFD];
	_ =	sdelay $0x3  }
0xe: {  	_ =	strace s3  }
0xf: {  	_ =	strace $0x8FFFFFFF  }
0x10: {  	s20 =	sld [smem:$0x3FDB];
	_ =	sdelay $0x1  }
0x11: {  	s4 =	simm.s32 $_scs_section_size  }
0x12: {  	s5 =	simm.s32 $_size__tile_overlayer_lowered;
	s6 =	simm.s32 $_tile_overlayer_lowered  }
0x13: {  	s23 =	simm.s32 $0x1BFF;
	s22 =	sshll.u32 s6, $0x1;
	s3 =	sadd.s32 s4, s20  }
0x14: {  	s7 =	simm.s32 $0x0;
	s21 =	sshll.u32 s5, $0x1;
	s5 =	sadd.s32 s22, s3  }
0x15: {  	[timem:s7], [sflag:s23] =	dma.local [hbm:s5], s21  }
0x16: {  	_ =	swait.ge [sflag:s23], s21  }
0x17: {  	s4 =	ssub.s32 $0x0, s21;
	[sflag:s23] =	ssyncset.done $0x0  }
0x18: {  	[sflag:s23] =	ssyncadd.s32 s4;
	_ =	sdelay $0x1  }
0x19: {  	s24 =	simm.s32 $0x1B8B  }
0x1a: {  	_ =	swait.ge [sflag:s24], $0x1  }
0x1b: {  	[sflag:s24] =	ssyncset.done $0x0  }
0x1c: {  	s26 =	simm.s32 $0x1B8E;
	s25 =	sld [smem:$0x3FFE];
	[sflag:s24] =	ssyncadd.s32 $0xFFFFFFFF  }
0x1d: {  	s27 =	simm.s32 $execute0_lowered;
	[smem:$0x3FD2] =	sst s26  }
0x1e: {  	s5 =	sshll.u32 s27, $0x1;
	_ =	strace $0x80000046;
	[dreg:$0x1] =	wrdreg $0xFFFFFFFF  }
0x1f: {  	s28 =	simm.s32 $_size_execute0_lowered;
	s3 =	sadd.s32 s3, s5;
	[dreg:$0x0] =	wrdreg $0x0  }
0x20: {  	s5 =	sshll.u32 s28, $0x1;
	[dreg:$0x2] =	wrdreg s3  }
0x21: {  	[dreg:$0x3] =	wrdreg s5  }
0x22: {  	[dreg:$0x4] =	wrdreg $0xC0  }
0x23: {  	_ =	task [dreg:s7], $0x5FFFF  }
0x24: {  	[dreg:$0x1] =	wrdreg $0xFFFFFFFF  }
0x25: {  	[dreg:$0x0] =	wrdreg $0x60  }
0x26: {  	[dreg:$0x2] =	wrdreg s25  }
0x27: {  	[dreg:$0x3] =	wrdreg s2  }
0x28: {  	[dreg:$0x4] =	wrdreg $0x9  }
0x29: {  	_ =	task.clear_ibuf [dreg:s7], $0x5FFFF;
	_ =	strace $0x90000046  }
0x2a: {  	s29 =	simm.s32 $0x9;
	_ =	strace $0x80000048  }
0x2b: {  	_ =	swait.ge [sflag:s29], $0x1  }
0x2c: {  	[sflag:s29] =	ssyncadd.s32 $0xFFFFFFFF  }
0x2d: {  	_ =	strace $0x90000048  }
0x2e: {  	_ =	sfence  }
0x2f: {  	s30 =	sld [smem:$0x0];
	_ =	sdelay $0x2  }
0x30: {  	s31 =	sshll.u32 s1, $0xD;
	s1 =	sshrl.u32 s1, $0x2  }
0x31: {  	s3 =	sand.u32 $0x4000, s31;
	s1 =	sadd.s32 s1, s30  }
0x32: {  	s0 =	sor.u32 s3, s0;
	s1 =	sshll.u32 s1, $0x11  }
0x33: {  	s0 =	sor.u32 s1, s0  }
0x34: {  	s0 =	sadd.s32 $0x8F2B, s0  }
0x35: {  	[sflag:s0] =	ssyncadd.remote.s32 $0x1  }
0x36: {  	_ =	sfence.sel $0xFFFF  }
0x37: {  	[dreg:$0x0] =	wrdreg $0xFFFFFFFF;
	(pc) =	sbr.abs _section_cstart, $3  }
0x38: {  	[dreg:$0x1] =	wrdreg $0xFFFFFFFF  }
0x39: {  	_ =	task.clear_ibuf [dreg:s7], $0x2FFFF;
	_ =	strace $0x9FFFFFFF  }
0x3a: {  	(tm) =	ssettm $0x7FFFFFFF  }
0x3b: {  	_ =	shalt  }
tec
execute0_lowered:
.L_overlay_start_1:
0x0: {  	(tag) =	ssettag $0x1  }
0x1: {  	s0 =	srdreg.scid  }
0x2: {  	s1 =	rddreg [dreg:$0x0];
	s2 =	stileid.u32  }
0x3: {  	_ =	strace $0x80000047;
	s31 =	simm.s32 $0x2;
	s20 =	simm.s32 $0x0  }
0x4: {  	s11 =	simm.s32 $0x80;
	s12 =	simm.s32 $0x400;
	s13 =	simm.s32 $0x0  }
0x5: {  	s19 =	simm.s32 $0x0;
	s21 =	simm.s32 $0x0;
	s0 =	sshll.u32 s0, $0x4  }
0x6: {  	s14 =	simm.s32 $0x0;
	s15 =	simm.s32 $0x0;
	s0 =	sand.u32 $0x10, s0  }
0x7: {  	s3 =	sand.u32 $0x1, s2;
	s0 =	sor.u32 s2, s0;
	s2 =	sshll.u32 s2, $0x6  }
0x8: {  	s6 =	ssub.s32 $0x2, s3;
	s5 =	sshll.u32 s0, $0x4;
	s4 =	sand.u32 $0x180, s2  }
0x9: {  	s28 =	sshrl.u32 s6, $0x1;
	s5 =	sand.u32 $0x180, s5;
	s7 =	ssub.s32 $0x2800, s4  }
0xa: {  	s6 =	sand.u32 $0x1, s6;
	s8 =	ssub.s32 $0x200, s5;
	s29 =	sshrl.u32 s7, $0x9  }
0xb: {  	s2 =	sadd.s32 s6, s28;
	s30 =	sand.u32 $0x180, s8;
	s6 =	sadd.s32 $0x1, s29  }
0xc: {  	s7 =	simm.s32 $0x1;
	p0 =	sne.s32 s30, $0x0;
	s2 =	smul.u32 s2, s6  }
.Ltmp0:
0xd: {  	s8 =	sshrl.u32 s8, $0x9;
	s7 =	simm.s32 @!p0 $0x0;
	(pc) =	sbr.rel .LBB1_1-.Ltmp0, $4  }
0xe: {  	s18 =	simm.s32 $0x0;
	s17 =	smov.u32 s3;
	s8 =	sadd.s32 s7, s8  }
0xf: {  	s0 =	sshll.u32 s0, $0x7;
	s7 =	simm.s32 $0x1;
	s8 =	smul.u32 s8, s2  }
0x10: {  	s9 =	sand.u32 $0xC00, s0;
	s16 =	smov.u32 s4;
	[sflag:s7] =	ssyncpa.u1 $0x0  }
0x11: {  	s6 =	sadd.s32 $0x3600, s1;
	[sflag:s31] =	ssyncpa.u1 $0x0;
	s10 =	sadd.s32 $0x1, s8  }
.LBB1_9:
0x12: {  	p0 =	sgt.s32 s14, $0x2781;
	s0 =	smov.u32 s14  }
0x13: {  	s1 =	sshll.u32 s21, $0x1;
	s2 =	sshll.u32 s15, $0x7;
	s0 =	simm.s32 @!p0 $0x2781  }
0x14: {  	s27 =	sshll.u32 s18, $0xE;
	s28 =	sshll.u32 s14, $0x7;
	s0 =	sadd.s32 s22, s0  }
0x15: {  	s29 =	sshrl.u32 s21, $0x2;
	s30 =	rddreg [dreg:$0x1];
	s26 =	sadd.s32 $0xFFFFD87F, s0  }
0x16: {  	s2 =	sand.u32 $0x80, s2;
	s0 =	ssub.s32 $0x2801, s0;
	p0 =	sgt.s32 s26, $0x7F  }
0x17: {  	s1 =	sand.u32 $0x100, s1;
	s21 =	sand.u32 $0x40, s29;
	s0 =	simm.s32 @p0 $0x0  }
0x18: {  	s1 =	sor.u32 s2, s1;
	s2 =	sadd.s32 s30, s28;
	s0 =	smul.u32 s0, s23  }
0x19: {  	s22 =	sand.u32 $0x4000, s27;
	s1 =	sshrl.u32 s1, $0x3;
	s2 =	sadd.s32 s21, s2  }
0x1a: {  	s31 =	sor.u32 $0x8000, s22;
	s1 =	sadd.s32 s1, s2;
	s0 =	sand.u32 $0x3FFFFF80, s0  }
0x1b: {  	[hbm4b:s1+s11] =	stream.strided.scatter [tilespmem:s31], [sflag:$0x2], s0, s12, s11, $0x38;
	[tilespmem:$0x10000] =	vst v63  }
.LBB1_10:
0x1c: {  	p0 =	slt.u32 s18, $0x2  }
0x1d: {  	s0 =	smov.u32 s20;
	p1 =	sgt.s32 @!p0 s20, $0x2781;
	s1 =	sshra.s32 @!p0 s20, $0x1F  }
0x1e: {  	s2 =	sshra.s32 @!p0 s19, $0x1F;
	p1 =	por !p1, p0;
	s1 =	sand.u32 @!p0 s1, s20  }
0x1f: {  	s2 =	sand.u32 @!p0 s2, s19;
	s0 =	simm.s32 @p1 $0x2781;
	p1 =	sgt.s32 @!p0 s19, $0x1  }
0x20: {  	s0 =	ssub.s32 @!p0 s0, s1;
	p1 =	por !p1, p0;
	s1 =	smov.u32 s19  }
0x21: {  	s2 =	sxor.u32 @!p0 $0xFFFFFFFF, s2;
	s1 =	simm.s32 @p1 $0x1  }
0x22: {  	s19 =	sadd.s32 @!p0 $0xFFFFD87F, s0;
	s0 =	ssub.s32 @!p0 $0x2801, s0;
	s1 =	sadd.s32 @!p0 s2, s1  }
0x23: {  	p1 =	sgt.s32 @!p0 s19, $0x7F;
	p2 =	sgt.s32 @!p0 s1, $0x0;
	s1 =	sshll.u32 @!p0 s1, $0x7  }
0x24: {  	p1 =	por !p1, p0;
	s1 =	ssub.s32 @!p0 $0x80, s1;
	p2 =	por !p2, p0  }
0x25: {  	s0 =	simm.s32 @!p1 $0x0;
	s1 =	simm.s32 @!p2 $0x0  }
0x26: {  	s0 =	smul.u32 @!p0 s0, s1;
	s1 =	sadd.s32 $0x200, s16  }
0x27: {  	s22 =	smov.u32 s17;
	s19 =	sadd.s32 $0x2, s17;
	p1 =	sgt.s32 s1, $0x2800  }
0x28: {  	s22 =	smov.u32 @p1 s19  }
0x29: {  	s1 =	smov.u32 @p1 s4;
	p1 =	sgt.s32 s22, $0x1  }
0x2a: {  	s13 =	sadd.s32 $0x4000, s13;
	s22 =	smov.u32 @p1 s3;
	p1 =	sne.s32 s18, s10  }
.Ltmp1:
0x2b: {  	s21 =	smov.u32 s5;
	s20 =	smov.u32 s14;
	(pc) =	sbr.rel @!p1 .LBB1_11-.Ltmp1, $4  }
0x2c: {  	s14 =	smov.u32 s16;
	s2 =	simm.s32 @!p0 $0x2;
	s0 =	sand.u32 @!p0 $0x3FFFFF80, s0  }
0x2d: {  	s19 =	smov.u32 s15;
	s15 =	smov.u32 s17;
	_ =	swait.ge @!p0 [sflag:s2], s0  }
0x2e: {  	s0 =	ssub.s32 @!p0 $0x0, s0;
	s16 =	smov.u32 s1;
	[sflag:s2] =	ssyncset.done @!p0 $0x0  }
0x2f: {  	s18 =	sadd.s32 $0x1, s18;
	[sflag:s2] =	ssyncadd.s32 @!p0 s0;
	s17 =	smov.u32 s22  }
.LBB1_1:
0x30: {  	p0 =	sge.u32 s18, s8;
	s2 =	smov.u32 s16;
	s24 =	smov.u32 s17  }
0x31: {  	s31 =	sadd.s32 $0xFFFFFFFF, s18;
	s0 =	sshll.u32 @!p0 s16, $0x9;
	s1 =	sshll.u32 @!p0 s16, $0x7  }
0x32: {  	p1 =	sgt.s32 @!p0 s16, $0x2788;
	p2 =	sgt.s32 @!p0 s17, $0x1;
	s22 =	sshra.s32 @!p0 s16, $0x1F  }
0x33: {  	s23 =	sshra.s32 @!p0 s17, $0x1F;
	s0 =	sand.u32 @!p0 $0xFFFFF000, s0;
	s1 =	sand.u32 @!p0 $0x200, s1  }
0x34: {  	p1 =	por !p1, p0;
	s22 =	sand.u32 @!p0 s22, s16;
	s23 =	sand.u32 @!p0 s23, s17  }
0x35: {  	s0 =	sor.u32 @!p0 s9, s0;
	s2 =	simm.s32 @p1 $0x2788;
	p1 =	por !p2, p0  }
0x36: {  	s0 =	sor.u32 @!p0 s1, s0;
	s2 =	ssub.s32 @!p0 s2, s22;
	s24 =	simm.s32 @p1 $0x1  }
0x37: {  	s22 =	sxor.u32 @!p0 $0xFFFFFFFF, s23;
	s0 =	sshrl.u32 @!p0 s0, $0x9;
	s23 =	sadd.s32 @!p0 $0xFFFFD878, s2  }
0x38: {  	s22 =	sadd.s32 @!p0 s22, s24;
	s2 =	ssub.s32 @!p0 $0x2808, s2;
	s1 =	smulhi.u32 @!p0 $0x6651F, s0  }
0x39: {  	p1 =	sgt.s32 @!p0 s23, $0x7F;
	s23 =	sxor.u32 @!p0 $0xFFFFFFFF, s18;
	p2 =	sgt.s32 @!p0 s22, $0x0  }
0x3a: {  	s22 =	sshll.u32 @!p0 s22, $0x7;
	p1 =	por !p1, p0;
	s1 =	smul.u32 @!p0 $0x2808, s1  }
0x3b: {  	s22 =	ssub.s32 @!p0 $0x80, s22;
	s2 =	simm.s32 @!p1 $0x0;
	p1 =	por !p2, p0  }
0x3c: {  	s22 =	simm.s32 @!p1 $0x0;
	s0 =	ssub.s32 @!p0 s0, s1;
	s1 =	smul.u32 @!p0 $0xA0200, s17  }
0x3d: {  	s23 =	sshll.u32 @!p0 s23, $0xE;
	s2 =	smul.u32 @!p0 s2, s22;
	s22 =	sshll.u32 @!p0 s16, $0x4  }
0x3e: {  	s23 =	sand.u32 @!p0 $0x4000, s23;
	s22 =	sand.u32 @!p0 $0x30, s22;
	s1 =	sadd.s32 @!p0 s6, s1  }
0x3f: {  	s0 =	sshll.u32 @!p0 s0, $0x6;
	s2 =	sand.u32 @!p0 $0x3FFFFF80, s2;
	s1 =	sadd.s32 @!p0 s22, s1  }
0x40: {  	s22 =	simm.s32 @!p0 $0x1000;
	s0 =	sadd.s32 @!p0 s0, s1;
	s1 =	simm.s32 @!p0 $0x400  }
0x41: {  	[tilespmem:s23], [sflag:$0x1] =	stream.strided.gather @!p0 [hbm4b:s0+s1], s2, s22, s1, $0x38;
	[tilespmem:$0x10000] =	vst v63  }
0x42: {  	p0 =	sge.u32 s31, s8  }
.Ltmp2:
0x43: {  	_ = 	snop;
	(pc) =	sbr.rel @p0 .LBB1_10-.Ltmp2, $1  }
0x44: {  	_ =	sdelay $0x3  }
0x45: {  	p0 =	sgt.s32 s15, $0x1;
	s0 =	smov.u32 s15;
	s1 =	sshra.s32 s15, $0x1F  }
0x46: {  	s2 =	ssub.s32 $0x0, s14;
	s22 =	sshra.s32 s14, $0x1F;
	s1 =	sand.u32 s1, s15  }
0x47: {  	s23 =	smov.u32 s14;
	s0 =	simm.s32 @!p0 $0x1;
	s1 =	sxor.u32 $0xFFFFFFFF, s1  }
0x48: {  	p0 =	sgt.s32 s14, $0x2788;
	s22 =	sand.u32 s2, s22;
	s0 =	sadd.s32 s1, s0  }
0x49: {  	s23 =	simm.s32 @!p0 $0x2788;
	p0 =	sgt.s32 s0, $0x0;
	s0 =	sshll.u32 s0, $0x7  }
0x4a: {  	s29 =	sadd.s32 s22, s23;
	s23 =	ssub.s32 $0x80, s0;
	s0 =	sadd.s32 $0x1, s15  }
0x4b: {  	s2 =	sadd.s32 $0x80, s14;
	s23 =	simm.s32 @p0 $0x0;
	p0 =	slt.s32 s0, $0x2  }
0x4c: {  	s30 =	sadd.s32 $0xFFFFD878, s29;
	s0 =	simm.s32 @!p0 $0x2;
	p0 =	slt.s32 s2, $0x2801  }
0x4d: {  	s1 =	ssub.s32 $0x2808, s29;
	s24 =	ssub.s32 s0, s15;
	s2 =	simm.s32 @!p0 $0x2801  }
0x4e: {  	p1 =	sgt.s32 s30, $0x7F;
	s25 =	ssub.s32 s2, s14;
	p0 =	slt.s32 s24, $0x1  }
0x4f: {  	s1 =	simm.s32 @p1 $0x0;
	p1 =	slt.s32 @!p0 s25, $0x1  }
0x50: {  	s1 =	smul.u32 s1, s23;
	p0 =	por p0, p1  }
.Ltmp3:
0x51: {  	_ = 	snop;
	(pc) =	sbr.rel @p0 .LBB1_9-.Ltmp3, $4  }
0x52: {  	s31 =	sand.u32 $0x3FFFFF80, s1  }
0x53: {  	_ =	swait.ge [sflag:s7], s31  }
0x54: {  	s0 =	ssub.s32 $0x0, s31;
	[sflag:s7] =	ssyncset.done $0x0  }
0x55: {  	[sflag:s7] =	ssyncadd.s32 s0  }
0x56: {  	s0 =	sshll.u32 s13, $0x2  }
0x57: {  	s0 =	sand.u32 $0x10000, s0  }
0x58: {  	s26 =	sshrl.u32 s0, $0x2;
	s0 =	sshrl.u32 s0, $0x2  }
0x59: {  	s28 =	simm.s32 $0x0;
	p0 =	por $0x0, $0x0;
	s27 =	sor.u32 $0x8000, s0  }
.LBB1_4:
0x5a: {  	s0 =	simm.s32 $0x1  }
0x5b: {  	s0 =	simm.s32 @!p0 $0x0  }
0x5c: {  	s0 =	sshll.u32 s0, $0x7  }
0x5d: {  	s30 =	simm.s32 $0x0;
	s31 =	simm.s32 $0x0;
	s2 =	sadd.s32 s0, s27  }
.LBB1_5:
0x5e: {  	s0 =	sand.u32 $0x3F80, s30  }
0x5f: {  	s1 =	simm.s32 $0xFFFFFFF0;
	s29 =	smov.u32 s2;
	s0 =	sadd.s32 s0, s26  }
.LBB1_6:
0x60: {  	s1 =	sadd.s32 $0x10, s1  }
0x61: {  	v0 =	vld [tilespmem:s0+$0x0];
	p1 =	slt.u32 s1, $0x70  }
.Ltmp4:
0x62: {  	_ = 	snop;
	(pc) =	sbr.rel @p1 .LBB1_6-.Ltmp4, $2  }
0x63: {  	_ =	sdelay $0x2  }
0x64: {  	s0 =	sadd.s32 $0x10, s0;
	[tilespmem:s29+$0x0] =	vst v0;
	s29 =	sadd.s32 $0x10, s29  }
0x65: {  	s31 =	sadd.s32 $0x1, s31  }
0x66: {  	p1 =	sne.s32 s31, s25  }
.Ltmp5:
0x67: {  	_ = 	snop;
	(pc) =	sbr.rel @p1 .LBB1_5-.Ltmp5, $2  }
0x68: {  	_ =	sdelay $0x2  }
0x69: {  	s2 =	sadd.s32 $0x80, s2;
	s30 =	sadd.s32 $0x80, s30  }
0x6a: {  	s28 =	sadd.s32 $0x1, s28  }
0x6b: {  	p1 =	sne.s32 s28, s24  }
.Ltmp6:
0x6c: {  	_ = 	snop;
	(pc) =	sbr.rel @p1 .LBB1_4-.Ltmp6, $4  }
.Ltmp7:
0x6d: {  	_ = 	snop;
	(pc) =	sbr.rel @!p1 .LBB1_9-.Ltmp7, $4  }
0x6e: {  	_ = 	snop  }
0x6f: {  	_ = 	snop  }
0x70: {  	p0 =	por !p0, !p0;
	s26 =	sadd.s32 $0x4000, s26  }
0x71: {  	_ = 	snop  }
.LBB1_11:
0x72: {  	_ =	sfence.sel $0x180000  }
0x73: {  	s0 =	simm.s32 $0x1;
	[bflag:$0x0] =	sbarrier.arrive $0xFFFF  }
0x74: {  	s30 =	simm.s32 $0x2;
	[sflag:s0] =	ssyncpa.u1 $0x1  }
0x75: {  	[sflag:s30] =	ssyncpa.u1 $0x1  }
0x76: {  	_ =	strace $0x90000047  }
0x77: {  	s31 =	stileid.u32;
	[bflag:$0x2] =	sbarrier.arrive $0xFFFF  }
0x78: {  	p0 =	sne.s32 s31, $0x0;
	s0 =	rddreg [dreg:$0x2]  }
0x79: {  	s0 =	sadd.s32 @!p0 $0x100000, s0  }
0x7a: {  	[sflag:s0] =	ssyncadd.tile.s32 @!p0 $0x1;
	_ =	shalt  }
.Lfunc_end1:
_tile_overlayer_lowered:
.L_overlay_start_2:
0x7b: {  	(tag) =	ssettag $0x2  }
0x7c: {  	s0 =	rddreg [dreg:$0x0];
	s2 =	stileid.u32  }
0x7d: {  	s1 =	rddreg [dreg:$0x1];
	p0 =	sne.s32 s2, $0x0  }
0x7e: {  	s3 =	rddreg [dreg:$0x2];
	[bflag:$0x3] =	sbarrier.arrive $0xFFFF;
	s2 =	simm.s32 @!p0 $0x1C01  }
0x7f: {  	[timem:s3], [sflag:s2] =	dma.local @!p0 [hbm:s0], s1  }
0x80: {  	s0 =	simm.s32 @!p0 $0x1  }
0x81: {  	_ =	swait.ge @!p0 [sflag:s0], s1  }
0x82: {  	s1 =	ssub.s32 @!p0 $0x0, s1;
	[sflag:s0] =	ssyncset.done @!p0 $0x0  }
0x83: {  	[sflag:s0] =	ssyncadd.s32 @!p0 s1  }
0x84: {  	[bflag:$0x3] =	sbarrier.arrive $0xFFFF  }
0x85: {  	_ =	shalt  }

</sc_bundles>
